<compile_context>
chip_gen: v7x
topology: tpu7x:2x2x1
jax: 0.10.2.dev20260603
libtpu: 0.0.44.dev20260713+nightly
codegen_flags: <defaults>
</compile_context>

<pallas_src>
import functools

import jax
import jax.numpy as jnp
from jax import lax
from jax.experimental import pallas as pl
from jax.experimental.pallas import tpu as pltpu
from jax.experimental.pallas import tpu_sc as plsc

_V = 16384
_N = 4 * 2048
_PAD = 0
_NC = 1
_NS = 16
_NW = _NC * _NS
_RPW = _N // _NW
_CH = 128
_NCH = _RPW // _CH
_L = 16


def _make_loss_kernel():
    mesh = plsc.VectorSubcoreMesh(core_axis_name="c", subcore_axis_name="s",
                                  num_cores=_NC)

    @functools.partial(
        pl.kernel,
        out_type=jax.ShapeDtypeStruct((_NW, _L), jnp.float32),
        mesh=mesh,
        scratch_types=[
            pltpu.VMEM((_RPW,), jnp.int32),
            pltpu.VMEM((_RPW,), jnp.int32),
            pltpu.VMEM((_RPW,), jnp.float32),
            pltpu.VMEM((_L,), jnp.float32),
            pltpu.SemaphoreType.DMA,
        ],
    )
    def loss_kernel(x_hbm, t_hbm, out_hbm, t_v, idx_v, val_v, acc_v, sem):
        cid = lax.axis_index("c")
        sid = lax.axis_index("s")
        wid = sid * _NC + cid
        base = wid * _RPW

        pltpu.sync_copy(t_hbm.at[pl.ds(base, _RPW)], t_v)

        lanes = lax.iota(jnp.int32, _L)

        def build(i, _):
            off = i * _L
            tv = t_v[pl.ds(off, _L)]
            row = base + off + lanes
            idx_v[pl.ds(off, _L)] = (
                ((row >> 3) << 17) + ((tv >> 7) << 10)
                + ((row & 7) << 7) + (tv & 127)
            )
            return 0

        lax.fori_loop(0, _RPW // _L, build, 0, unroll=4)

        copies = [
            pltpu.async_copy(x_hbm.at[idx_v.at[pl.ds(c * _CH, _CH)]],
                             val_v.at[pl.ds(c * _CH, _CH)], sem)
            for c in range(_NCH)
        ]
        for cp in copies:
            cp.wait()

        def accum(i, acc):
            off = i * _L
            tv = t_v[pl.ds(off, _L)]
            v = val_v[pl.ds(off, _L)]
            return acc - jnp.where(tv != _PAD, v, 0.0)

        acc = lax.fori_loop(0, _RPW // _L, accum, jnp.zeros((_L,), jnp.float32),
                            unroll=4)

        acc_v[...] = acc
        pltpu.sync_copy(acc_v, out_hbm.at[wid])

    return loss_kernel


_loss_kernel = _make_loss_kernel()


@jax.jit
def kernel(x, target):
    xt = x.reshape(_N // 8, 8, _V // 128, 128)
    xf = xt.transpose(0, 2, 1, 3).reshape(-1)
    t = target.reshape(-1).astype(jnp.int32)
    partials = _loss_kernel(xf, t)
    return jnp.sum(partials)

# --- scband reference (transcript-rebuilt; emitter-appended) ---
"""Pipeline reference for scband-loss-function-30777735643458 (READ-ONLY COPY).

The authoritative reference and input builder live on the scoring server;
editing this copy changes nothing except your own understanding.
"""

import jax, jax.numpy as jnp
import numpy as np

SIZE = 16384
PADDING = 0


def setup_inputs(seed: int = 0) -> dict:
    key = jax.random.key(seed)
    k1, k2 = jax.random.split(key)
    x = jax.random.normal(k1, (4, 2048, SIZE), dtype=jnp.float32)
    target = jax.random.randint(k2, (4, 2048), 0, SIZE, dtype=jnp.int64 if jax.config.jax_enable_x64 else jnp.int32).astype(jnp.int32)
    return {"x": x, "target": target}


def reference(x, target):
    # x: log-probabilities [B, S, V]; target: int labels [B, S]
    xf = x.reshape(-1, x.shape[-1])
    t = target.reshape(-1)
    n = t.shape[0]
    # one-hot scatter: onehot_target.scatter_(1, target.unsqueeze(1), 1.0)
    onehot = jnp.zeros_like(xf).at[jnp.arange(n), t].set(1.0)
    # zero out the padding column
    onehot = onehot.at[:, PADDING].set(0.0)
    # zero out rows whose target == padding (index_fill_ on nonzero mask)
    pad_rows = (t == PADDING)
    onehot = jnp.where(pad_rows[:, None], 0.0, onehot)
    # KLDivLoss(reduction='sum'): sum(y * (log y - x)), with 0*log0 := 0
    safe = jnp.where(onehot > 0, onehot, 1.0)
    term = jnp.where(onehot > 0, onehot * (jnp.log(safe) - xf), 0.0)
    return jnp.sum(term)

if __name__ == "__main__":
    import jax
    _d = setup_inputs()
    print(jax.jit(kernel)(*tuple(_d.values())))

</pallas_src>

<mosaic_0001>
#map = affine_map<(d0, d1) -> (0)>
#map1 = affine_map<(d0, d1) -> (0, 0)>
module attributes {stable_mosaic.version = 14 : i64} {
  func.func @loss_kernel(%arg0: i32, %arg1: i32, %arg2: memref<134217728xf32, #tpu.memory_space<hbm>>, %arg3: memref<8192xi32, #tpu.memory_space<hbm>>, %arg4: memref<16x16xf32, #tpu.memory_space<hbm>>, %arg5: memref<512xi32, #tpu.memory_space<vmem>>, %arg6: memref<512xi32, #tpu.memory_space<vmem>>, %arg7: memref<512xf32, #tpu.memory_space<vmem>>, %arg8: memref<16xf32, #tpu.memory_space<vmem>>, %arg9: memref<!tpu.dma_semaphore, #tpu.memory_space<semaphore_mem>>) attributes {dimension_semantics = [#tpu.dimension_semantics<core_parallel>, #tpu.dimension_semantics<subcore_parallel>], iteration_bounds = array<i64: 1, 16>, scalar_prefetch = 0 : i64, scratch_operands = 5 : i64, tpu.core_type = #tpu.core_type<sc_vector_subcore>, window_params = [{transform_indices = #map}, {transform_indices = #map}, {transform_indices = #map1}]} {
    %mul3A = arith.constant 1 : i32
    %mul3A_0 = arith.muli %arg1, %mul3A : i32
    %add3A = arith.addi %mul3A_0, %arg0 : i32
    %mul3A_1 = arith.constant 512 : i32
    %mul3A_2 = arith.muli %add3A, %mul3A_1 : i32
    "tpu.region"() ({
      %run_scoped3A = tpu.sem_alloc : memref<!tpu.dma_semaphore, #tpu.memory_space<semaphore_mem>>
      %dma_start3A_65 = tpu.memref_slice %arg3[%mul3A_2] : memref<8192xi32, #tpu.memory_space<hbm>> -> memref<512xi32, #tpu.memory_space<hbm>>
      %dma_start3A_66 = tpu.memref_slice %arg3[%mul3A_2] : memref<8192xi32, #tpu.memory_space<hbm>> -> memref<512xi32, #tpu.memory_space<hbm>>
      tpu.enqueue_dma source(%dma_start3A_66 : memref<512xi32, #tpu.memory_space<hbm>>) target(%arg5 : memref<512xi32, #tpu.memory_space<vmem>>) target_semaphore(%run_scoped3A : memref<!tpu.dma_semaphore, #tpu.memory_space<semaphore_mem>>)
      %dma_wait3A_67 = tpu.memref_slice %arg3[%mul3A_2] : memref<8192xi32, #tpu.memory_space<hbm>> -> memref<512xi32, #tpu.memory_space<hbm>>
      %dma_wait3A_68 = tpu.memref_slice %arg3[%mul3A_2] : memref<8192xi32, #tpu.memory_space<hbm>> -> memref<512xi32, #tpu.memory_space<hbm>>
      tpu.wait_dma2 semaphore(%run_scoped3A : memref<!tpu.dma_semaphore, #tpu.memory_space<semaphore_mem>>) src(%dma_wait3A_68 : memref<512xi32, #tpu.memory_space<hbm>>) dst(%arg5 : memref<512xi32, #tpu.memory_space<vmem>>)
      tpu.yield
    }) : () -> ()
    %iota3A = tpu.iota {dimensions = array<i32: 0>} : vector<16xi32>
    %scan3A = arith.constant 0 : i32
    %scan3A_3 = arith.constant 0 : i32
    %scan3A_4 = arith.constant 32 : i32
    %scan3A_5 = arith.addi %scan3A_3, %scan3A_4 : i32
    %scan3A_6 = arith.constant 4 : i32
    %scan3A_7 = scf.for %scan3A_65 = %scan3A_3 to %scan3A_5 step %scan3A_6 iter_args(%scan3A_66 = %scan3A) -> (i32)  : i32 {
      %mul3A_67 = arith.constant 16 : i32
      %mul3A_68 = arith.muli %scan3A_65, %mul3A_67 : i32
      %get3A = arith.index_cast %mul3A_68 : i32 to index
      %get3A_69 = tpu.vector_load %arg5[%get3A] {strides = array<i32>} : memref<512xi32, #tpu.memory_space<vmem>>, vector<16xi32>,
      %get3A_70 = vector.shape_cast %get3A_69 : vector<16xi32> to vector<16xi32>
      %add3A_71 = arith.addi %mul3A_2, %mul3A_68 : i32
      %add3A_72 = vector.broadcast %add3A_71 : i32 to vector<16xi32>
      %add3A_73 = arith.addi %add3A_72, %iota3A : vector<16xi32>
      %shift_right_arithmetic3A = arith.constant 3 : i32
      %shift_right_arithmetic3A_74 = vector.broadcast %shift_right_arithmetic3A : i32 to vector<16xi32>
      %shift_right_arithmetic3A_75 = arith.shrsi %add3A_73, %shift_right_arithmetic3A_74 : vector<16xi32>
      %shift_left3A = arith.constant 17 : i32
      %shift_left3A_76 = vector.broadcast %shift_left3A : i32 to vector<16xi32>
      %shift_left3A_77 = arith.shli %shift_right_arithmetic3A_75, %shift_left3A_76 : vector<16xi32>
      %shift_right_arithmetic3A_78 = arith.constant 7 : i32
      %shift_right_arithmetic3A_79 = vector.broadcast %shift_right_arithmetic3A_78 : i32 to vector<16xi32>
      %shift_right_arithmetic3A_80 = arith.shrsi %get3A_70, %shift_right_arithmetic3A_79 : vector<16xi32>
      %shift_left3A_81 = arith.constant 10 : i32
      %shift_left3A_82 = vector.broadcast %shift_left3A_81 : i32 to vector<16xi32>
      %shift_left3A_83 = arith.shli %shift_right_arithmetic3A_80, %shift_left3A_82 : vector<16xi32>
      %add3A_84 = arith.addi %shift_left3A_77, %shift_left3A_83 : vector<16xi32>
      %and3A = arith.constant 7 : i32
      %and3A_85 = vector.broadcast %and3A : i32 to vector<16xi32>
      %and3A_86 = arith.andi %add3A_73, %and3A_85 : vector<16xi32>
      %shift_left3A_87 = arith.constant 7 : i32
      %shift_left3A_88 = vector.broadcast %shift_left3A_87 : i32 to vector<16xi32>
      %shift_left3A_89 = arith.shli %and3A_86, %shift_left3A_88 : vector<16xi32>
      %add3A_90 = arith.addi %add3A_84, %shift_left3A_89 : vector<16xi32>
      %and3A_91 = arith.constant 127 : i32
      %and3A_92 = vector.broadcast %and3A_91 : i32 to vector<16xi32>
      %and3A_93 = arith.andi %get3A_70, %and3A_92 : vector<16xi32>
      %add3A_94 = arith.addi %add3A_90, %and3A_93 : vector<16xi32>
      %swap3A_95 = arith.index_cast %mul3A_68 : i32 to index
      %swap3A_96 = tpu.vector_load %arg6[%swap3A_95] {strides = array<i32>} : memref<512xi32, #tpu.memory_space<vmem>>, vector<16xi32>,
      %swap3A_97 = vector.shape_cast %swap3A_96 : vector<16xi32> to vector<16xi32>
      %swap3A_98 = vector.shape_cast %add3A_94 : vector<16xi32> to vector<16xi32>
      tpu.vector_store %arg6[%swap3A_95], %swap3A_98 {strides = array<i32>} : memref<512xi32, #tpu.memory_space<vmem>>, vector<16xi32>,
      %scan3A_99 = arith.constant 0 : i32
      %scan3A_100 = arith.constant 1 : i32
      %scan3A_101 = arith.addi %scan3A_65, %scan3A_100 : i32
      %mul3A_102 = arith.constant 16 : i32
      %mul3A_103 = arith.muli %scan3A_101, %mul3A_102 : i32
      %get3A_104 = arith.index_cast %mul3A_103 : i32 to index
      %get3A_105 = tpu.vector_load %arg5[%get3A_104] {strides = array<i32>} : memref<512xi32, #tpu.memory_space<vmem>>, vector<16xi32>,
      %get3A_106 = vector.shape_cast %get3A_105 : vector<16xi32> to vector<16xi32>
      %add3A_107 = arith.addi %mul3A_2, %mul3A_103 : i32
      %add3A_108 = vector.broadcast %add3A_107 : i32 to vector<16xi32>
      %add3A_109 = arith.addi %add3A_108, %iota3A : vector<16xi32>
      %shift_right_arithmetic3A_110 = arith.constant 3 : i32
      %shift_right_arithmetic3A_111 = vector.broadcast %shift_right_arithmetic3A_110 : i32 to vector<16xi32>
      %shift_right_arithmetic3A_112 = arith.shrsi %add3A_109, %shift_right_arithmetic3A_111 : vector<16xi32>
      %shift_left3A_113 = arith.constant 17 : i32
      %shift_left3A_114 = vector.broadcast %shift_left3A_113 : i32 to vector<16xi32>
      %shift_left3A_115 = arith.shli %shift_right_arithmetic3A_112, %shift_left3A_114 : vector<16xi32>
      %shift_right_arithmetic3A_116 = arith.constant 7 : i32
      %shift_right_arithmetic3A_117 = vector.broadcast %shift_right_arithmetic3A_116 : i32 to vector<16xi32>
      %shift_right_arithmetic3A_118 = arith.shrsi %get3A_106, %shift_right_arithmetic3A_117 : vector<16xi32>
      %shift_left3A_119 = arith.constant 10 : i32
      %shift_left3A_120 = vector.broadcast %shift_left3A_119 : i32 to vector<16xi32>
      %shift_left3A_121 = arith.shli %shift_right_arithmetic3A_118, %shift_left3A_120 : vector<16xi32>
      %add3A_122 = arith.addi %shift_left3A_115, %shift_left3A_121 : vector<16xi32>
      %and3A_123 = arith.constant 7 : i32
      %and3A_124 = vector.broadcast %and3A_123 : i32 to vector<16xi32>
      %and3A_125 = arith.andi %add3A_109, %and3A_124 : vector<16xi32>
      %shift_left3A_126 = arith.constant 7 : i32
      %shift_left3A_127 = vector.broadcast %shift_left3A_126 : i32 to vector<16xi32>
      %shift_left3A_128 = arith.shli %and3A_125, %shift_left3A_127 : vector<16xi32>
      %add3A_129 = arith.addi %add3A_122, %shift_left3A_128 : vector<16xi32>
      %and3A_130 = arith.constant 127 : i32
      %and3A_131 = vector.broadcast %and3A_130 : i32 to vector<16xi32>
      %and3A_132 = arith.andi %get3A_106, %and3A_131 : vector<16xi32>
      %add3A_133 = arith.addi %add3A_129, %and3A_132 : vector<16xi32>
      %swap3A_134 = arith.index_cast %mul3A_103 : i32 to index
      %swap3A_135 = tpu.vector_load %arg6[%swap3A_134] {strides = array<i32>} : memref<512xi32, #tpu.memory_space<vmem>>, vector<16xi32>,
      %swap3A_136 = vector.shape_cast %swap3A_135 : vector<16xi32> to vector<16xi32>
      %swap3A_137 = vector.shape_cast %add3A_133 : vector<16xi32> to vector<16xi32>
      tpu.vector_store %arg6[%swap3A_134], %swap3A_137 {strides = array<i32>} : memref<512xi32, #tpu.memory_space<vmem>>, vector<16xi32>,
      %scan3A_138 = arith.constant 0 : i32
      %scan3A_139 = arith.constant 2 : i32
      %scan3A_140 = arith.addi %scan3A_65, %scan3A_139 : i32
      %mul3A_141 = arith.constant 16 : i32
      %mul3A_142 = arith.muli %scan3A_140, %mul3A_141 : i32
      %get3A_143 = arith.index_cast %mul3A_142 : i32 to index
      %get3A_144 = tpu.vector_load %arg5[%get3A_143] {strides = array<i32>} : memref<512xi32, #tpu.memory_space<vmem>>, vector<16xi32>,
      %get3A_145 = vector.shape_cast %get3A_144 : vector<16xi32> to vector<16xi32>
      %add3A_146 = arith.addi %mul3A_2, %mul3A_142 : i32
      %add3A_147 = vector.broadcast %add3A_146 : i32 to vector<16xi32>
      %add3A_148 = arith.addi %add3A_147, %iota3A : vector<16xi32>
      %shift_right_arithmetic3A_149 = arith.constant 3 : i32
      %shift_right_arithmetic3A_150 = vector.broadcast %shift_right_arithmetic3A_149 : i32 to vector<16xi32>
      %shift_right_arithmetic3A_151 = arith.shrsi %add3A_148, %shift_right_arithmetic3A_150 : vector<16xi32>
      %shift_left3A_152 = arith.constant 17 : i32
      %shift_left3A_153 = vector.broadcast %shift_left3A_152 : i32 to vector<16xi32>
      %shift_left3A_154 = arith.shli %shift_right_arithmetic3A_151, %shift_left3A_153 : vector<16xi32>
      %shift_right_arithmetic3A_155 = arith.constant 7 : i32
      %shift_right_arithmetic3A_156 = vector.broadcast %shift_right_arithmetic3A_155 : i32 to vector<16xi32>
      %shift_right_arithmetic3A_157 = arith.shrsi %get3A_145, %shift_right_arithmetic3A_156 : vector<16xi32>
      %shift_left3A_158 = arith.constant 10 : i32
      %shift_left3A_159 = vector.broadcast %shift_left3A_158 : i32 to vector<16xi32>
      %shift_left3A_160 = arith.shli %shift_right_arithmetic3A_157, %shift_left3A_159 : vector<16xi32>
      %add3A_161 = arith.addi %shift_left3A_154, %shift_left3A_160 : vector<16xi32>
      %and3A_162 = arith.constant 7 : i32
      %and3A_163 = vector.broadcast %and3A_162 : i32 to vector<16xi32>
      %and3A_164 = arith.andi %add3A_148, %and3A_163 : vector<16xi32>
      %shift_left3A_165 = arith.constant 7 : i32
      %shift_left3A_166 = vector.broadcast %shift_left3A_165 : i32 to vector<16xi32>
      %shift_left3A_167 = arith.shli %and3A_164, %shift_left3A_166 : vector<16xi32>
      %add3A_168 = arith.addi %add3A_161, %shift_left3A_167 : vector<16xi32>
      %and3A_169 = arith.constant 127 : i32
      %and3A_170 = vector.broadcast %and3A_169 : i32 to vector<16xi32>
      %and3A_171 = arith.andi %get3A_145, %and3A_170 : vector<16xi32>
      %add3A_172 = arith.addi %add3A_168, %and3A_171 : vector<16xi32>
      %swap3A_173 = arith.index_cast %mul3A_142 : i32 to index
      %swap3A_174 = tpu.vector_load %arg6[%swap3A_173] {strides = array<i32>} : memref<512xi32, #tpu.memory_space<vmem>>, vector<16xi32>,
      %swap3A_175 = vector.shape_cast %swap3A_174 : vector<16xi32> to vector<16xi32>
      %swap3A_176 = vector.shape_cast %add3A_172 : vector<16xi32> to vector<16xi32>
      tpu.vector_store %arg6[%swap3A_173], %swap3A_176 {strides = array<i32>} : memref<512xi32, #tpu.memory_space<vmem>>, vector<16xi32>,
      %scan3A_177 = arith.constant 0 : i32
      %scan3A_178 = arith.constant 3 : i32
      %scan3A_179 = arith.addi %scan3A_65, %scan3A_178 : i32
      %mul3A_180 = arith.constant 16 : i32
      %mul3A_181 = arith.muli %scan3A_179, %mul3A_180 : i32
      %get3A_182 = arith.index_cast %mul3A_181 : i32 to index
      %get3A_183 = tpu.vector_load %arg5[%get3A_182] {strides = array<i32>} : memref<512xi32, #tpu.memory_space<vmem>>, vector<16xi32>,
      %get3A_184 = vector.shape_cast %get3A_183 : vector<16xi32> to vector<16xi32>
      %add3A_185 = arith.addi %mul3A_2, %mul3A_181 : i32
      %add3A_186 = vector.broadcast %add3A_185 : i32 to vector<16xi32>
      %add3A_187 = arith.addi %add3A_186, %iota3A : vector<16xi32>
      %shift_right_arithmetic3A_188 = arith.constant 3 : i32
      %shift_right_arithmetic3A_189 = vector.broadcast %shift_right_arithmetic3A_188 : i32 to vector<16xi32>
      %shift_right_arithmetic3A_190 = arith.shrsi %add3A_187, %shift_right_arithmetic3A_189 : vector<16xi32>
      %shift_left3A_191 = arith.constant 17 : i32
      %shift_left3A_192 = vector.broadcast %shift_left3A_191 : i32 to vector<16xi32>
      %shift_left3A_193 = arith.shli %shift_right_arithmetic3A_190, %shift_left3A_192 : vector<16xi32>
      %shift_right_arithmetic3A_194 = arith.constant 7 : i32
      %shift_right_arithmetic3A_195 = vector.broadcast %shift_right_arithmetic3A_194 : i32 to vector<16xi32>
      %shift_right_arithmetic3A_196 = arith.shrsi %get3A_184, %shift_right_arithmetic3A_195 : vector<16xi32>
      %shift_left3A_197 = arith.constant 10 : i32
      %shift_left3A_198 = vector.broadcast %shift_left3A_197 : i32 to vector<16xi32>
      %shift_left3A_199 = arith.shli %shift_right_arithmetic3A_196, %shift_left3A_198 : vector<16xi32>
      %add3A_200 = arith.addi %shift_left3A_193, %shift_left3A_199 : vector<16xi32>
      %and3A_201 = arith.constant 7 : i32
      %and3A_202 = vector.broadcast %and3A_201 : i32 to vector<16xi32>
      %and3A_203 = arith.andi %add3A_187, %and3A_202 : vector<16xi32>
      %shift_left3A_204 = arith.constant 7 : i32
      %shift_left3A_205 = vector.broadcast %shift_left3A_204 : i32 to vector<16xi32>
      %shift_left3A_206 = arith.shli %and3A_203, %shift_left3A_205 : vector<16xi32>
      %add3A_207 = arith.addi %add3A_200, %shift_left3A_206 : vector<16xi32>
      %and3A_208 = arith.constant 127 : i32
      %and3A_209 = vector.broadcast %and3A_208 : i32 to vector<16xi32>
      %and3A_210 = arith.andi %get3A_184, %and3A_209 : vector<16xi32>
      %add3A_211 = arith.addi %add3A_207, %and3A_210 : vector<16xi32>
      %swap3A_212 = arith.index_cast %mul3A_181 : i32 to index
      %swap3A_213 = tpu.vector_load %arg6[%swap3A_212] {strides = array<i32>} : memref<512xi32, #tpu.memory_space<vmem>>, vector<16xi32>,
      %swap3A_214 = vector.shape_cast %swap3A_213 : vector<16xi32> to vector<16xi32>
      %swap3A_215 = vector.shape_cast %add3A_211 : vector<16xi32> to vector<16xi32>
      tpu.vector_store %arg6[%swap3A_212], %swap3A_215 {strides = array<i32>} : memref<512xi32, #tpu.memory_space<vmem>>, vector<16xi32>,
      %scan3A_216 = arith.constant 0 : i32
      scf.yield %scan3A_216 : i32
    }
    %scan3A_8 = arith.constant 32 : i32
    %dma_start3A = arith.constant 0 : i32
    %dma_start3A_9 = tpu.memref_slice %arg7[%dma_start3A] : memref<512xf32, #tpu.memory_space<vmem>> -> memref<128xf32, #tpu.memory_space<vmem>>
    %dma_start3A_10 = arith.constant 0 : i32
    %dma_start3A_11 = tpu.memref_slice %arg6[%dma_start3A_10] : memref<512xi32, #tpu.memory_space<vmem>> -> memref<128xi32, #tpu.memory_space<vmem>>
    %dma_start3A_12 = arith.constant 0 : i32
    %dma_start3A_13 = tpu.memref_slice %arg2[%dma_start3A_12] : memref<134217728xf32, #tpu.memory_space<hbm>> -> memref<134217728xf32, #tpu.memory_space<hbm>>
    tpu.enqueue_indirect_dma source(%dma_start3A_13 : memref<134217728xf32, #tpu.memory_space<hbm>>) target(%dma_start3A_9 : memref<128xf32, #tpu.memory_space<vmem>>) offsets(%dma_start3A_11 : memref<128xi32, #tpu.memory_space<vmem>>) semaphore(%arg9 : memref<!tpu.dma_semaphore, #tpu.memory_space<semaphore_mem>>)
    %dma_start3A_14 = arith.constant 128 : i32
    %dma_start3A_15 = tpu.memref_slice %arg7[%dma_start3A_14] : memref<512xf32, #tpu.memory_space<vmem>> -> memref<128xf32, #tpu.memory_space<vmem>>
    %dma_start3A_16 = arith.constant 128 : i32
    %dma_start3A_17 = tpu.memref_slice %arg6[%dma_start3A_16] : memref<512xi32, #tpu.memory_space<vmem>> -> memref<128xi32, #tpu.memory_space<vmem>>
    %dma_start3A_18 = arith.constant 0 : i32
    %dma_start3A_19 = tpu.memref_slice %arg2[%dma_start3A_18] : memref<134217728xf32, #tpu.memory_space<hbm>> -> memref<134217728xf32, #tpu.memory_space<hbm>>
    tpu.enqueue_indirect_dma source(%dma_start3A_19 : memref<134217728xf32, #tpu.memory_space<hbm>>) target(%dma_start3A_15 : memref<128xf32, #tpu.memory_space<vmem>>) offsets(%dma_start3A_17 : memref<128xi32, #tpu.memory_space<vmem>>) semaphore(%arg9 : memref<!tpu.dma_semaphore, #tpu.memory_space<semaphore_mem>>)
    %dma_start3A_20 = arith.constant 256 : i32
    %dma_start3A_21 = tpu.memref_slice %arg7[%dma_start3A_20] : memref<512xf32, #tpu.memory_space<vmem>> -> memref<128xf32, #tpu.memory_space<vmem>>
    %dma_start3A_22 = arith.constant 256 : i32
    %dma_start3A_23 = tpu.memref_slice %arg6[%dma_start3A_22] : memref<512xi32, #tpu.memory_space<vmem>> -> memref<128xi32, #tpu.memory_space<vmem>>
    %dma_start3A_24 = arith.constant 0 : i32
    %dma_start3A_25 = tpu.memref_slice %arg2[%dma_start3A_24] : memref<134217728xf32, #tpu.memory_space<hbm>> -> memref<134217728xf32, #tpu.memory_space<hbm>>
    tpu.enqueue_indirect_dma source(%dma_start3A_25 : memref<134217728xf32, #tpu.memory_space<hbm>>) target(%dma_start3A_21 : memref<128xf32, #tpu.memory_space<vmem>>) offsets(%dma_start3A_23 : memref<128xi32, #tpu.memory_space<vmem>>) semaphore(%arg9 : memref<!tpu.dma_semaphore, #tpu.memory_space<semaphore_mem>>)
    %dma_start3A_26 = arith.constant 384 : i32
    %dma_start3A_27 = tpu.memref_slice %arg7[%dma_start3A_26] : memref<512xf32, #tpu.memory_space<vmem>> -> memref<128xf32, #tpu.memory_space<vmem>>
    %dma_start3A_28 = arith.constant 384 : i32
    %dma_start3A_29 = tpu.memref_slice %arg6[%dma_start3A_28] : memref<512xi32, #tpu.memory_space<vmem>> -> memref<128xi32, #tpu.memory_space<vmem>>
    %dma_start3A_30 = arith.constant 0 : i32
    %dma_start3A_31 = tpu.memref_slice %arg2[%dma_start3A_30] : memref<134217728xf32, #tpu.memory_space<hbm>> -> memref<134217728xf32, #tpu.memory_space<hbm>>
    tpu.enqueue_indirect_dma source(%dma_start3A_31 : memref<134217728xf32, #tpu.memory_space<hbm>>) target(%dma_start3A_27 : memref<128xf32, #tpu.memory_space<vmem>>) offsets(%dma_start3A_29 : memref<128xi32, #tpu.memory_space<vmem>>) semaphore(%arg9 : memref<!tpu.dma_semaphore, #tpu.memory_space<semaphore_mem>>)
    %dma_wait3A = arith.constant 0 : i32
    %dma_wait3A_32 = tpu.memref_slice %arg7[%dma_wait3A] : memref<512xf32, #tpu.memory_space<vmem>> -> memref<128xf32, #tpu.memory_space<vmem>>
    %dma_wait3A_33 = arith.constant 0 : i32
    %dma_wait3A_34 = tpu.memref_slice %arg6[%dma_wait3A_33] : memref<512xi32, #tpu.memory_space<vmem>> -> memref<128xi32, #tpu.memory_space<vmem>>
    %dma_wait3A_35 = arith.constant 0 : i32
    %dma_wait3A_36 = tpu.memref_slice %arg2[%dma_wait3A_35] : memref<134217728xf32, #tpu.memory_space<hbm>> -> memref<134217728xf32, #tpu.memory_space<hbm>>
    tpu.wait_indirect_dma semaphore(%arg9 : memref<!tpu.dma_semaphore, #tpu.memory_space<semaphore_mem>>) src(%dma_wait3A_36 : memref<134217728xf32, #tpu.memory_space<hbm>>) dst(%dma_wait3A_32 : memref<128xf32, #tpu.memory_space<vmem>>)
    %dma_wait3A_37 = arith.constant 128 : i32
    %dma_wait3A_38 = tpu.memref_slice %arg7[%dma_wait3A_37] : memref<512xf32, #tpu.memory_space<vmem>> -> memref<128xf32, #tpu.memory_space<vmem>>
    %dma_wait3A_39 = arith.constant 128 : i32
    %dma_wait3A_40 = tpu.memref_slice %arg6[%dma_wait3A_39] : memref<512xi32, #tpu.memory_space<vmem>> -> memref<128xi32, #tpu.memory_space<vmem>>
    %dma_wait3A_41 = arith.constant 0 : i32
    %dma_wait3A_42 = tpu.memref_slice %arg2[%dma_wait3A_41] : memref<134217728xf32, #tpu.memory_space<hbm>> -> memref<134217728xf32, #tpu.memory_space<hbm>>
    tpu.wait_indirect_dma semaphore(%arg9 : memref<!tpu.dma_semaphore, #tpu.memory_space<semaphore_mem>>) src(%dma_wait3A_42 : memref<134217728xf32, #tpu.memory_space<hbm>>) dst(%dma_wait3A_38 : memref<128xf32, #tpu.memory_space<vmem>>)
    %dma_wait3A_43 = arith.constant 256 : i32
    %dma_wait3A_44 = tpu.memref_slice %arg7[%dma_wait3A_43] : memref<512xf32, #tpu.memory_space<vmem>> -> memref<128xf32, #tpu.memory_space<vmem>>
    %dma_wait3A_45 = arith.constant 256 : i32
    %dma_wait3A_46 = tpu.memref_slice %arg6[%dma_wait3A_45] : memref<512xi32, #tpu.memory_space<vmem>> -> memref<128xi32, #tpu.memory_space<vmem>>
    %dma_wait3A_47 = arith.constant 0 : i32
    %dma_wait3A_48 = tpu.memref_slice %arg2[%dma_wait3A_47] : memref<134217728xf32, #tpu.memory_space<hbm>> -> memref<134217728xf32, #tpu.memory_space<hbm>>
    tpu.wait_indirect_dma semaphore(%arg9 : memref<!tpu.dma_semaphore, #tpu.memory_space<semaphore_mem>>) src(%dma_wait3A_48 : memref<134217728xf32, #tpu.memory_space<hbm>>) dst(%dma_wait3A_44 : memref<128xf32, #tpu.memory_space<vmem>>)
    %dma_wait3A_49 = arith.constant 384 : i32
    %dma_wait3A_50 = tpu.memref_slice %arg7[%dma_wait3A_49] : memref<512xf32, #tpu.memory_space<vmem>> -> memref<128xf32, #tpu.memory_space<vmem>>
    %dma_wait3A_51 = arith.constant 384 : i32
    %dma_wait3A_52 = tpu.memref_slice %arg6[%dma_wait3A_51] : memref<512xi32, #tpu.memory_space<vmem>> -> memref<128xi32, #tpu.memory_space<vmem>>
    %dma_wait3A_53 = arith.constant 0 : i32
    %dma_wait3A_54 = tpu.memref_slice %arg2[%dma_wait3A_53] : memref<134217728xf32, #tpu.memory_space<hbm>> -> memref<134217728xf32, #tpu.memory_space<hbm>>
    tpu.wait_indirect_dma semaphore(%arg9 : memref<!tpu.dma_semaphore, #tpu.memory_space<semaphore_mem>>) src(%dma_wait3A_54 : memref<134217728xf32, #tpu.memory_space<hbm>>) dst(%dma_wait3A_50 : memref<128xf32, #tpu.memory_space<vmem>>)
    %broadcast_in_dim3A = arith.constant 0.000000e+00 : f32
    %broadcast_in_dim3A_55 = vector.broadcast %broadcast_in_dim3A : f32 to vector<16xf32>
    %scan3A_56 = arith.constant 0 : i32
    %scan3A_57 = arith.constant 32 : i32
    %scan3A_58 = arith.addi %scan3A_56, %scan3A_57 : i32
    %scan3A_59 = arith.constant 4 : i32
    %scan3A_60 = scf.for %scan3A_65 = %scan3A_56 to %scan3A_58 step %scan3A_59 iter_args(%scan3A_66 = %broadcast_in_dim3A_55) -> (vector<16xf32>)  : i32 {
      %mul3A_67 = arith.constant 16 : i32
      %mul3A_68 = arith.muli %scan3A_65, %mul3A_67 : i32
      %get3A = arith.index_cast %mul3A_68 : i32 to index
      %get3A_69 = tpu.vector_load %arg5[%get3A] {strides = array<i32>} : memref<512xi32, #tpu.memory_space<vmem>>, vector<16xi32>,
      %get3A_70 = vector.shape_cast %get3A_69 : vector<16xi32> to vector<16xi32>
      %get3A_71 = arith.index_cast %mul3A_68 : i32 to index
      %get3A_72 = tpu.vector_load %arg7[%get3A_71] {strides = array<i32>} : memref<512xf32, #tpu.memory_space<vmem>>, vector<16xf32>,
      %get3A_73 = vector.shape_cast %get3A_72 : vector<16xf32> to vector<16xf32>
      %ne3A = arith.constant 0 : i32
      %ne3A_74 = vector.broadcast %ne3A : i32 to vector<16xi32>
      %ne3A_75 = arith.cmpi ne, %get3A_70, %ne3A_74 : vector<16xi32>
      %jit3A = arith.constant 0.000000e+00 : f32
      %broadcast_in_dim3A_76 = vector.broadcast %jit3A : f32 to vector<16xf32>
      %select_n3A = arith.select %ne3A_75, %get3A_73, %broadcast_in_dim3A_76 : vector<16xi1>, vector<16xf32>
      %sub3A = arith.subf %scan3A_66, %select_n3A : vector<16xf32>
      %scan3A_77 = arith.constant 1 : i32
      %scan3A_78 = arith.addi %scan3A_65, %scan3A_77 : i32
      %mul3A_79 = arith.constant 16 : i32
      %mul3A_80 = arith.muli %scan3A_78, %mul3A_79 : i32
      %get3A_81 = arith.index_cast %mul3A_80 : i32 to index
      %get3A_82 = tpu.vector_load %arg5[%get3A_81] {strides = array<i32>} : memref<512xi32, #tpu.memory_space<vmem>>, vector<16xi32>,
      %get3A_83 = vector.shape_cast %get3A_82 : vector<16xi32> to vector<16xi32>
      %get3A_84 = arith.index_cast %mul3A_80 : i32 to index
      %get3A_85 = tpu.vector_load %arg7[%get3A_84] {strides = array<i32>} : memref<512xf32, #tpu.memory_space<vmem>>, vector<16xf32>,
      %get3A_86 = vector.shape_cast %get3A_85 : vector<16xf32> to vector<16xf32>
      %ne3A_87 = arith.constant 0 : i32
      %ne3A_88 = vector.broadcast %ne3A_87 : i32 to vector<16xi32>
      %ne3A_89 = arith.cmpi ne, %get3A_83, %ne3A_88 : vector<16xi32>
      %jit3A_90 = arith.constant 0.000000e+00 : f32
      %broadcast_in_dim3A_91 = vector.broadcast %jit3A_90 : f32 to vector<16xf32>
      %select_n3A_92 = arith.select %ne3A_89, %get3A_86, %broadcast_in_dim3A_91 : vector<16xi1>, vector<16xf32>
      %sub3A_93 = arith.subf %sub3A, %select_n3A_92 : vector<16xf32>
      %scan3A_94 = arith.constant 2 : i32
      %scan3A_95 = arith.addi %scan3A_65, %scan3A_94 : i32
      %mul3A_96 = arith.constant 16 : i32
      %mul3A_97 = arith.muli %scan3A_95, %mul3A_96 : i32
      %get3A_98 = arith.index_cast %mul3A_97 : i32 to index
      %get3A_99 = tpu.vector_load %arg5[%get3A_98] {strides = array<i32>} : memref<512xi32, #tpu.memory_space<vmem>>, vector<16xi32>,
      %get3A_100 = vector.shape_cast %get3A_99 : vector<16xi32> to vector<16xi32>
      %get3A_101 = arith.index_cast %mul3A_97 : i32 to index
      %get3A_102 = tpu.vector_load %arg7[%get3A_101] {strides = array<i32>} : memref<512xf32, #tpu.memory_space<vmem>>, vector<16xf32>,
      %get3A_103 = vector.shape_cast %get3A_102 : vector<16xf32> to vector<16xf32>
      %ne3A_104 = arith.constant 0 : i32
      %ne3A_105 = vector.broadcast %ne3A_104 : i32 to vector<16xi32>
      %ne3A_106 = arith.cmpi ne, %get3A_100, %ne3A_105 : vector<16xi32>
      %jit3A_107 = arith.constant 0.000000e+00 : f32
      %broadcast_in_dim3A_108 = vector.broadcast %jit3A_107 : f32 to vector<16xf32>
      %select_n3A_109 = arith.select %ne3A_106, %get3A_103, %broadcast_in_dim3A_108 : vector<16xi1>, vector<16xf32>
      %sub3A_110 = arith.subf %sub3A_93, %select_n3A_109 : vector<16xf32>
      %scan3A_111 = arith.constant 3 : i32
      %scan3A_112 = arith.addi %scan3A_65, %scan3A_111 : i32
      %mul3A_113 = arith.constant 16 : i32
      %mul3A_114 = arith.muli %scan3A_112, %mul3A_113 : i32
      %get3A_115 = arith.index_cast %mul3A_114 : i32 to index
      %get3A_116 = tpu.vector_load %arg5[%get3A_115] {strides = array<i32>} : memref<512xi32, #tpu.memory_space<vmem>>, vector<16xi32>,
      %get3A_117 = vector.shape_cast %get3A_116 : vector<16xi32> to vector<16xi32>
      %get3A_118 = arith.index_cast %mul3A_114 : i32 to index
      %get3A_119 = tpu.vector_load %arg7[%get3A_118] {strides = array<i32>} : memref<512xf32, #tpu.memory_space<vmem>>, vector<16xf32>,
      %get3A_120 = vector.shape_cast %get3A_119 : vector<16xf32> to vector<16xf32>
      %ne3A_121 = arith.constant 0 : i32
      %ne3A_122 = vector.broadcast %ne3A_121 : i32 to vector<16xi32>
      %ne3A_123 = arith.cmpi ne, %get3A_117, %ne3A_122 : vector<16xi32>
      %jit3A_124 = arith.constant 0.000000e+00 : f32
      %broadcast_in_dim3A_125 = vector.broadcast %jit3A_124 : f32 to vector<16xf32>
      %select_n3A_126 = arith.select %ne3A_123, %get3A_120, %broadcast_in_dim3A_125 : vector<16xi1>, vector<16xf32>
      %sub3A_127 = arith.subf %sub3A_110, %select_n3A_126 : vector<16xf32>
      scf.yield %sub3A_127 : vector<16xf32>
    }
    %scan3A_61 = arith.constant 32 : i32
    %swap3A = arith.constant 0 : index
    %swap3A_62 = tpu.vector_load %arg8[%swap3A] {strides = array<i32>} : memref<16xf32, #tpu.memory_space<vmem>>, vector<16xf32>,
    %swap3A_63 = vector.shape_cast %swap3A_62 : vector<16xf32> to vector<16xf32>
    %swap3A_64 = vector.shape_cast %scan3A_60 : vector<16xf32> to vector<16xf32>
    tpu.vector_store %arg8[%swap3A], %swap3A_64 {strides = array<i32>} : memref<16xf32, #tpu.memory_space<vmem>>, vector<16xf32>,
    "tpu.region"() ({
      %run_scoped3A = tpu.sem_alloc : memref<!tpu.dma_semaphore, #tpu.memory_space<semaphore_mem>>
      %dma_start3A_65 = arith.constant 0 : i32
      %dma_start3A_66 = tpu.memref_slice %arg4[%add3A, %dma_start3A_65] : memref<16x16xf32, #tpu.memory_space<hbm>> -> memref<1x16xf32, #tpu.memory_space<hbm>>
      %dma_start3A_67 = tpu.memref_squeeze %dma_start3A_66 : memref<1x16xf32, #tpu.memory_space<hbm>> -> memref<16xf32, #tpu.memory_space<hbm>>
      %dma_start3A_68 = arith.constant 0 : i32
      %dma_start3A_69 = tpu.memref_slice %arg4[%add3A, %dma_start3A_68] : memref<16x16xf32, #tpu.memory_space<hbm>> -> memref<1x16xf32, #tpu.memory_space<hbm>>
      %dma_start3A_70 = tpu.memref_squeeze %dma_start3A_69 : memref<1x16xf32, #tpu.memory_space<hbm>> -> memref<16xf32, #tpu.memory_space<hbm>>
      tpu.enqueue_dma source(%arg8 : memref<16xf32, #tpu.memory_space<vmem>>) target(%dma_start3A_70 : memref<16xf32, #tpu.memory_space<hbm>>) target_semaphore(%run_scoped3A : memref<!tpu.dma_semaphore, #tpu.memory_space<semaphore_mem>>)
      %dma_wait3A_71 = arith.constant 0 : i32
      %dma_wait3A_72 = tpu.memref_slice %arg4[%add3A, %dma_wait3A_71] : memref<16x16xf32, #tpu.memory_space<hbm>> -> memref<1x16xf32, #tpu.memory_space<hbm>>
      %dma_wait3A_73 = tpu.memref_squeeze %dma_wait3A_72 : memref<1x16xf32, #tpu.memory_space<hbm>> -> memref<16xf32, #tpu.memory_space<hbm>>
      %dma_wait3A_74 = arith.constant 0 : i32
      %dma_wait3A_75 = tpu.memref_slice %arg4[%add3A, %dma_wait3A_74] : memref<16x16xf32, #tpu.memory_space<hbm>> -> memref<1x16xf32, #tpu.memory_space<hbm>>
      %dma_wait3A_76 = tpu.memref_squeeze %dma_wait3A_75 : memref<1x16xf32, #tpu.memory_space<hbm>> -> memref<16xf32, #tpu.memory_space<hbm>>
      tpu.wait_dma2 semaphore(%run_scoped3A : memref<!tpu.dma_semaphore, #tpu.memory_space<semaphore_mem>>) src(%arg8 : memref<16xf32, #tpu.memory_space<vmem>>) dst(%dma_wait3A_76 : memref<16xf32, #tpu.memory_space<hbm>>)
      tpu.yield
    }) : () -> ()
    return
  }
}

</mosaic_0001>

<sc_bundles>
// kernel: kernel.3.cloned.1.call-start
scs
__scs_entry_jumppad:
0x0: {  	(pc) =	sbr.rel $0x88, $3  }
0x1: {  	(tag) =	ssettag $0x0;
	lr =	simm.s32 $0x1  }
0x2: {  	[smem:$0x3F9F] =	sst lr;
	_ =	strace $0xD0000000  }
0x3: {  	_ = 	snop  }
0x4: {  	_ = 	snop  }
0x5: {  	_ = 	snop  }
0x6: {  	_ = 	snop  }
0x7: {  	_ = 	snop  }
__scs_overlays_trampoline_lowered:
0x8: {  	[smem:$0x3FAE] =	sst s0  }
0x9: {  	[smem:$0x3FAF] =	sst s1  }
0xa: {  	[smem:$0x3FB0] =	sst s2  }
0xb: {  	[smem:$0x3FB1] =	sst s3  }
0xc: {  	[smem:$0x3FB2] =	sst s4  }
0xd: {  	[smem:$0x3FB3] =	sst s5  }
0xe: {  	[smem:$0x3FB4] =	sst s6  }
0xf: {  	[smem:$0x3FB5] =	sst s7  }
0x10: {  	[smem:$0x3FB6] =	sst s8  }
0x11: {  	[smem:$0x3FB7] =	sst s9;
	s0 =	simm.s32 @!p0 $0x0  }
0x12: {  	s1 =	sld [smem:$0x3F9D];
	s0 =	simm.s32 @p0 $0x1  }
0x13: {  	[smem:$0x3FB8] =	sst s0;
	s0 =	simm.s32 @!p1 $0x0  }
0x14: {  	s2 =	sld [smem:$0x3F9C];
	s0 =	simm.s32 @p1 $0x1  }
0x15: {  	[smem:$0x3FB9] =	sst s0;
	s0 =	simm.s32 @!p2 $0x0  }
0x16: {  	s3 =	sld [smem:$0x3FDB];
	s0 =	simm.s32 @p2 $0x1  }
0x17: {  	s4 =	simm.s32 $0x1BF5;
	[smem:$0x3FBB] =	sst s0  }
0x18: {  	s0 =	sld [smem:$0x3F9E];
	_ =	swait.ge [sflag:s4], $0x0  }
0x19: {  	s7 =	sld [smem:$0x3F9F]  }
0x1a: {  	s8 =	sadd.s32 $0xFFFFE003, lr  }
0x1b: {  	s9 =	sadd.s32 $0xFFFFFEF7, lr;
	s5 =	simm.s32 $0xFFFFFFFF;
	p2 =	slt.u32 s8, $0xFFFFF086  }
0x1c: {  	p1 =	slt.u32 s9, $0xF7A;
	s5 =	simm.s32 @!p2 $0x0  }
0x1d: {  	s5 =	simm.s32 @p1 $0x1;
	p0 =	seq.s32 s7, s2  }
0x1e: {  	s7 =	smul.u32 @!p0 $0xF7A, s2;
	p2 =	seq.s32 @!p0 s5, $0x0  }
0x1f: {  	s9 =	smul.u32 $0xF7A, s1;
	s8 =	simm.s32 @!p0 $0x1BF5;
	p2 =	por !p2, p0  }
0x20: {  	[sflag:s8] =	ssyncset.s32 @!p0 $0xFFFFF086;
	s6 =	sadd.s32 @!p0 s3, s7;
	s7 =	simm.s32 @!p0 $0x108  }
0x21: {  	s3 =	sadd.s32 s3, s9;
	s6 =	sadd.s32 @!p0 $0x88, s6;
	s7 =	simm.s32 @p2 $0x1082  }
0x22: {  	[simem:s7], [sflag:s8] =	dma.local @!p0 [hbm:s6], $0xF7A  }
0x23: {  	s9 =	sor.u32 $0xD0000000, s2;
	s6 =	simm.s32 $0x108;
	_ =	swait.ge @!p0 [sflag:s8], $0x0  }
0x24: {  	s3 =	sadd.s32 $0x88, s3;
	s6 =	simm.s32 @!p1 $0x1082;
	[sflag:s4] =	ssyncset.s32 $0xFFFFF086  }
0x25: {  	[simem:s6], [sflag:s4] =	dma.local [hbm:s3], $0xF7A  }
0x26: {  	[smem:$0x3F9F] =	sst s1;
	(tag) =	ssettag s2;
	_ =	strace s9  }
0x27: {  	s1 =	sld [smem:$0x3FAF]  }
0x28: {  	s2 =	sld [smem:$0x3FB0]  }
0x29: {  	s4 =	sld [smem:$0x3FB2]  }
0x2a: {  	p0 =	seq.s32 s5, $0x0;
	s5 =	sld [smem:$0x3FB3]  }
0x2b: {  	s6 =	sld [smem:$0x3FB4]  }
0x2c: {  	s7 =	sld [smem:$0x3FB5]  }
0x2d: {  	s3 =	simm.s32 $0x108;
	s8 =	sld [smem:$0x3FB6]  }
0x2e: {  	s3 =	simm.s32 @!p0 $0x1082;
	s9 =	sld [smem:$0x3FB7]  }
0x2f: {  	lr =	sadd.s32 s0, s3;
	s0 =	sld [smem:$0x3FAE]  }
0x30: {  	s3 =	sld [smem:$0x3FB1]  }
0x31: {  	[smem:$0x3FBA] =	sst s10  }
0x32: {  	s10 =	sld [smem:$0x3FB8];
	_ =	sdelay $0x3  }
0x33: {  	p0 =	seq.s32 s10, $0x1;
	s10 =	sld [smem:$0x3FBA];
	_ =	sdelay $0x3  }
0x34: {  	[smem:$0x3FBA] =	sst s10  }
0x35: {  	s10 =	sld [smem:$0x3FB9];
	_ =	sdelay $0x3  }
0x36: {  	p1 =	seq.s32 s10, $0x1;
	s10 =	sld [smem:$0x3FBA];
	_ =	sdelay $0x3  }
0x37: {  	[smem:$0x3FBA] =	sst s10  }
0x38: {  	s10 =	sld [smem:$0x3FBB]  }
0x39: {  	_ = 	snop;
	(pc) =	sbr.ind lr, $3  }
0x3a: {  	_ = 	snop  }
0x3b: {  	_ = 	snop  }
0x3c: {  	p2 =	seq.s32 s10, $0x1;
	s10 =	sld [smem:$0x3FBA]  }
0x3d: {  	_ =	shalt  }
0x3e: {  	_ =	shalt  }
0x3f: {  	_ =	shalt  }
0x40: {  	_ =	shalt  }
0x41: {  	_ =	shalt  }
0x42: {  	_ =	shalt  }
0x43: {  	_ =	shalt  }
0x44: {  	_ =	shalt  }
0x45: {  	_ =	shalt  }
0x46: {  	_ =	shalt  }
0x47: {  	_ =	shalt  }
0x48: {  	_ =	shalt  }
0x49: {  	_ =	shalt  }
0x4a: {  	_ =	shalt  }
0x4b: {  	_ =	shalt  }
0x4c: {  	_ =	shalt  }
0x4d: {  	_ =	shalt  }
0x4e: {  	_ =	shalt  }
0x4f: {  	_ =	shalt  }
0x50: {  	_ =	shalt  }
0x51: {  	_ =	shalt  }
0x52: {  	_ =	shalt  }
0x53: {  	_ =	shalt  }
0x54: {  	_ =	shalt  }
0x55: {  	_ =	shalt  }
0x56: {  	_ =	shalt  }
0x57: {  	_ =	shalt  }
0x58: {  	_ =	shalt  }
0x59: {  	_ =	shalt  }
0x5a: {  	_ =	shalt  }
0x5b: {  	_ =	shalt  }
0x5c: {  	_ =	shalt  }
0x5d: {  	_ =	shalt  }
0x5e: {  	_ =	shalt  }
0x5f: {  	_ =	shalt  }
0x60: {  	_ =	shalt  }
0x61: {  	_ =	shalt  }
0x62: {  	_ =	shalt  }
0x63: {  	_ =	shalt  }
0x64: {  	_ =	shalt  }
0x65: {  	_ =	shalt  }
0x66: {  	_ =	shalt  }
0x67: {  	_ =	shalt  }
0x68: {  	_ =	shalt  }
0x69: {  	_ =	shalt  }
0x6a: {  	_ =	shalt  }
0x6b: {  	_ =	shalt  }
0x6c: {  	_ =	shalt  }
0x6d: {  	_ =	shalt  }
0x6e: {  	_ =	shalt  }
0x6f: {  	_ =	shalt  }
0x70: {  	_ =	shalt  }
0x71: {  	_ =	shalt  }
0x72: {  	_ =	shalt  }
0x73: {  	_ =	shalt  }
0x74: {  	_ =	shalt  }
0x75: {  	_ =	shalt  }
0x76: {  	_ =	shalt  }
0x77: {  	_ =	shalt  }
0x78: {  	_ =	shalt  }
0x79: {  	_ =	shalt  }
0x7a: {  	_ =	shalt  }
0x7b: {  	_ =	shalt  }
0x7c: {  	_ =	shalt  }
0x7d: {  	_ =	shalt  }
0x7e: {  	_ =	shalt  }
0x7f: {  	_ =	shalt  }
0x80: {  	_ =	shalt  }
0x81: {  	_ =	shalt  }
0x82: {  	_ =	shalt  }
0x83: {  	_ =	shalt  }
0x84: {  	_ =	shalt  }
0x85: {  	_ =	shalt  }
0x86: {  	_ =	shalt  }
0x87: {  	_ =	shalt  }
.Lfunc_end0:
.L_simem_size_0:
called_computation_lowered:
.L_overlay_start_0:
0x88: {  	s0 =	sld [smem:$0x3FD9]  }
0x89: {  	s1 =	sld [smem:$0x3FFE];
	_ =	sdelay $0x3  }
0x8a: {  	s0 =	sadd.s32 s1, s0  }
0x8b: {  	[smem:$0x3FC6] =	sst s0  }
0x8c: {  	_ = 	snop  }
0x8d: {  	s0 =	sld [smem:$0x3FC9];
	(tm) =	ssettm $0x1  }
0x8e: {  	s16 =	sld [smem:$0x3FFB];
	_ =	sdelay $0x3  }
0x8f: {  	_ =	strace s16  }
0x90: {  	s1 =	sld [smem:$0x3FFC];
	_ =	sdelay $0x3  }
0x91: {  	_ =	strace s1  }
0x92: {  	s1 =	sld [smem:$0x3FFD];
	_ =	sdelay $0x3  }
0x93: {  	_ =	strace s1  }
0x94: {  	_ =	strace $0x8FFFFFFF  }
0x95: {  	s17 =	sld [smem:$0x3FDB];
	_ =	sdelay $0x1  }
0x96: {  	s2 =	simm.s32 $_scs_section_size  }
0x97: {  	s3 =	simm.s32 $_size__tile_overlayer_lowered;
	s4 =	simm.s32 $_tile_overlayer_lowered  }
0x98: {  	s20 =	simm.s32 $0x1BFF;
	s19 =	sshll.u32 s4, $0x1;
	s1 =	sadd.s32 s2, s17  }
0x99: {  	s5 =	simm.s32 $0x0;
	s18 =	sshll.u32 s3, $0x1;
	s3 =	sadd.s32 s19, s1  }
0x9a: {  	[timem:s5], [sflag:s20] =	dma.local [hbm:s3], s18  }
0x9b: {  	_ =	swait.ge [sflag:s20], s18  }
0x9c: {  	s2 =	ssub.s32 $0x0, s18;
	[sflag:s20] =	ssyncset.done $0x0  }
0x9d: {  	[sflag:s20] =	ssyncadd.s32 s2;
	_ =	sdelay $0x1  }
0x9e: {  	s21 =	simm.s32 $0x1B8B  }
0x9f: {  	_ =	swait.ge [sflag:s21], $0x1  }
0xa0: {  	[sflag:s21] =	ssyncset.done $0x0  }
0xa1: {  	s23 =	simm.s32 $0x1B8E;
	s22 =	sld [smem:$0x3FFE];
	[sflag:s21] =	ssyncadd.s32 $0xFFFFFFFF  }
0xa2: {  	s24 =	simm.s32 $execute0_lowered;
	[smem:$0x3FD2] =	sst s23  }
0xa3: {  	s3 =	sshll.u32 s24, $0x1;
	_ =	strace $0x80000046;
	[dreg:$0x1] =	wrdreg $0xFFFFFFFF  }
0xa4: {  	s25 =	simm.s32 $_size_execute0_lowered;
	s1 =	sadd.s32 s1, s3;
	[dreg:$0x0] =	wrdreg $0x0  }
0xa5: {  	s3 =	sshll.u32 s25, $0x1;
	[dreg:$0x2] =	wrdreg s1  }
0xa6: {  	[dreg:$0x3] =	wrdreg s3  }
0xa7: {  	[dreg:$0x4] =	wrdreg $0xC0  }
0xa8: {  	_ =	task [dreg:s5], $0x5FFFF  }
0xa9: {  	[dreg:$0x1] =	wrdreg $0xFFFFFFFF  }
0xaa: {  	[dreg:$0x0] =	wrdreg $0x60  }
0xab: {  	[dreg:$0x2] =	wrdreg s0  }
0xac: {  	[dreg:$0x3] =	wrdreg s22  }
0xad: {  	[dreg:$0x4] =	wrdreg $0x9  }
0xae: {  	_ =	task.clear_ibuf [dreg:s5], $0x5FFFF;
	_ =	strace $0x90000046  }
0xaf: {  	s26 =	simm.s32 $0x9;
	_ =	strace $0x80000048  }
0xb0: {  	_ =	swait.ge [sflag:s26], $0x1  }
0xb1: {  	[sflag:s26] =	ssyncadd.s32 $0xFFFFFFFF  }
0xb2: {  	_ =	strace $0x90000048  }
0xb3: {  	_ =	sfence  }
0xb4: {  	s28 =	sld [smem:$0x0];
	_ =	sdelay $0x1  }
0xb5: {  	s29 =	srdreg.scid  }
0xb6: {  	s30 =	sshll.u32 s29, $0xD;
	s31 =	sshrl.u32 s29, $0x2  }
0xb7: {  	s2 =	sand.u32 $0x4000, s30;
	s1 =	sand.u32 $0x1, s29;
	s0 =	sadd.s32 s31, s28  }
0xb8: {  	s1 =	sor.u32 s2, s1;
	s0 =	sshll.u32 s0, $0x11  }
0xb9: {  	s0 =	sor.u32 s0, s1  }
0xba: {  	s0 =	sadd.s32 $0x8F2B, s0  }
0xbb: {  	[sflag:s0] =	ssyncadd.remote.s32 $0x1  }
0xbc: {  	_ =	sfence.sel $0xFFFF  }
0xbd: {  	[dreg:$0x0] =	wrdreg $0xFFFFFFFF;
	(pc) =	sbr.abs _section_cstart, $3  }
0xbe: {  	[dreg:$0x1] =	wrdreg $0xFFFFFFFF  }
0xbf: {  	_ =	task.clear_ibuf [dreg:s5], $0x2FFFF;
	_ =	strace $0x9FFFFFFF  }
0xc0: {  	(tm) =	ssettm $0x7FFFFFFF  }
0xc1: {  	_ =	shalt  }
tec
execute0_lowered:
.L_overlay_start_1:
0x0: {  	(tag) =	ssettag $0x1  }
0x1: {  	s3 =	rddreg [dreg:$0x0]  }
0x2: {  	s2 =	rddreg [dreg:$0x1]  }
0x3: {  	s0 =	rddreg [dreg:$0x2];
	s4 =	simm.s32 $0x0;
	s1 =	stileid.u32  }
0x4: {  	[smem:$0x7FF] =	sst s4;
	s5 =	sshll.u32 s1, $0x6  }
0x5: {  	s28 =	simm.s32 $0x2;
	_ =	strace $0x80000047;
	s5 =	sadd.s32 s2, s5  }
0x6: {  	[tilespmem:s4], [sflag:$0x2] =	stream.linear.gather [hbm4b:s5+s4], $0x200, $0x38;
	[tilespmem:$0x680] =	vst v63  }
0x7: {  	_ =	swait.ge [sflag:s28], $0x200  }
0x8: {  	[sflag:s28] =	ssyncset.done $0x0  }
0x9: {  	s6 =	simm.s32 $0x20;
	[sflag:s28] =	ssyncadd.s32 $0xFFFFFE00  }
0xa: {  	s29 =	sshll.u32 s1, $0x9;
	v2 =	vld [tilespmem:s6+$0xFFFFFFE0]  }
0xb: {  	s4 =	sor.u32 $0x30, s29  }
0xc: {  	v1 =	vlaneseq.u32;
	s30 =	sadd.s32 $0xFFFFFFD0, s4  }
0xd: {  	v0 =	vmul.u32 $0x4000, v1;
	v3 =	vmov s30  }
0xe: {  	v3 =	vshll.u32 v3, $0xE  }
0xf: {  	v3 =	vor.u32 v0, v3;
	v4 =	vshll.u32 v2, $0x3  }
0x10: {  	v1 =	vand.u32 $0x7, v1;
	v3 =	vand.u32 $0x7FFE0000, v3;
	v4 =	vand.u32 $0xFFFFFC00, v4  }
0x11: {  	v1 =	vmul.u32 $0x80, v1;
	v2 =	vand.u32 $0x7F, v2;
	v3 =	vadd.s32 v3, v4  }
0x12: {  	v2 =	vor.u32 v2, v3  }
0x13: {  	s5 =	simm.s32 $0x220;
	v2 =	vor.u32 v1, v2  }
0x14: {  	[tilespmem:s5+$0xFFFFFFE0] =	vst v2  }
0x15: {  	v2 =	vld [tilespmem:s6+$0xFFFFFFF0];
	_ =	sdelay $0x1  }
0x16: {  	s7 =	sadd.s32 $0xFFFFFFE0, s4  }
0x17: {  	v3 =	vmov s7  }
0x18: {  	v3 =	vshll.u32 v3, $0xE  }
0x19: {  	v3 =	vor.u32 v0, v3;
	v61 =	vshll.u32 v2, $0x3  }
0x1a: {  	v3 =	vand.u32 $0x7FFE0000, v3;
	v4 =	vand.u32 $0xFFFFFC00, v61  }
0x1b: {  	v2 =	vand.u32 $0x7F, v2;
	v3 =	vadd.s32 v3, v4  }
0x1c: {  	v2 =	vor.u32 v2, v3  }
0x1d: {  	v2 =	vor.u32 v1, v2  }
0x1e: {  	[tilespmem:s5+$0xFFFFFFF0] =	vst v2  }
0x1f: {  	v2 =	vld [tilespmem:s6+$0x0];
	_ =	sdelay $0x1  }
0x20: {  	s31 =	sadd.s32 $0xFFFFFFF0, s4  }
0x21: {  	v3 =	vmov s31  }
0x22: {  	v3 =	vshll.u32 v3, $0xE  }
0x23: {  	v3 =	vor.u32 v0, v3;
	v62 =	vshll.u32 v2, $0x3  }
0x24: {  	v3 =	vand.u32 $0x7FFE0000, v3;
	v4 =	vand.u32 $0xFFFFFC00, v62  }
0x25: {  	v2 =	vand.u32 $0x7F, v2;
	v3 =	vadd.s32 v3, v4  }
0x26: {  	v2 =	vor.u32 v2, v3  }
0x27: {  	v2 =	vor.u32 v1, v2  }
0x28: {  	[tilespmem:s5+$0x0] =	vst v2  }
0x29: {  	v2 =	vld [tilespmem:s6+$0x10];
	_ =	sdelay $0x2  }
0x2a: {  	v3 =	vmov s4  }
0x2b: {  	v3 =	vshll.u32 v3, $0xE  }
0x2c: {  	v3 =	vor.u32 v0, v3;
	v63 =	vshll.u32 v2, $0x3  }
0x2d: {  	v3 =	vand.u32 $0x7FFE0000, v3;
	v4 =	vand.u32 $0xFFFFFC00, v63  }
0x2e: {  	v2 =	vand.u32 $0x7F, v2;
	v3 =	vadd.s32 v3, v4  }
0x2f: {  	v2 =	vor.u32 v2, v3  }
0x30: {  	v2 =	vor.u32 v1, v2  }
0x31: {  	s2 =	sadd.s32 $0x400, s2;
	s7 =	simm.s32 $0x60;
	s6 =	simm.s32 $0x0;
	[tilespmem:s5+$0x10] =	vst v2  }
.LBB2_1:
0x32: {  	v2 =	vld [tilespmem:s7+$0xFFFFFFE0];
	s6 =	sadd.s32 $0x4, s6  }
0x33: {  	s4 =	sadd.s32 $0x40, s4;
	p0 =	slt.u32 s6, $0x1C  }
0x34: {  	s8 =	sadd.s32 $0xFFFFFFD0, s4  }
0x35: {  	v3 =	vmov s8  }
0x36: {  	v3 =	vshll.u32 v3, $0xE  }
0x37: {  	v3 =	vor.u32 v0, v3;
	v4 =	vshll.u32 v2, $0x3  }
0x38: {  	v3 =	vand.u32 $0x7FFE0000, v3;
	v4 =	vand.u32 $0xFFFFFC00, v4  }
0x39: {  	v2 =	vand.u32 $0x7F, v2;
	v3 =	vadd.s32 v3, v4  }
0x3a: {  	v2 =	vor.u32 v2, v3  }
0x3b: {  	s5 =	sadd.s32 $0x40, s5;
	v2 =	vor.u32 v1, v2  }
0x3c: {  	[tilespmem:s5+$0xFFFFFFE0] =	vst v2  }
0x3d: {  	v2 =	vld [tilespmem:s7+$0xFFFFFFF0];
	_ =	sdelay $0x1  }
0x3e: {  	s8 =	sadd.s32 $0xFFFFFFE0, s4  }
0x3f: {  	v3 =	vmov s8  }
0x40: {  	v3 =	vshll.u32 v3, $0xE  }
0x41: {  	v3 =	vor.u32 v0, v3;
	v4 =	vshll.u32 v2, $0x3  }
0x42: {  	v3 =	vand.u32 $0x7FFE0000, v3;
	v4 =	vand.u32 $0xFFFFFC00, v4  }
0x43: {  	v2 =	vand.u32 $0x7F, v2;
	v3 =	vadd.s32 v3, v4  }
0x44: {  	v2 =	vor.u32 v2, v3  }
0x45: {  	v2 =	vor.u32 v1, v2  }
0x46: {  	[tilespmem:s5+$0xFFFFFFF0] =	vst v2  }
0x47: {  	v2 =	vld [tilespmem:s7+$0x0];
	_ =	sdelay $0x1  }
0x48: {  	s8 =	sadd.s32 $0xFFFFFFF0, s4  }
0x49: {  	v3 =	vmov s8  }
0x4a: {  	v3 =	vshll.u32 v3, $0xE  }
0x4b: {  	v3 =	vor.u32 v0, v3;
	v4 =	vshll.u32 v2, $0x3  }
0x4c: {  	v3 =	vand.u32 $0x7FFE0000, v3;
	v4 =	vand.u32 $0xFFFFFC00, v4  }
0x4d: {  	v2 =	vand.u32 $0x7F, v2;
	v3 =	vadd.s32 v3, v4  }
0x4e: {  	v2 =	vor.u32 v2, v3  }
0x4f: {  	v2 =	vor.u32 v1, v2  }
0x50: {  	[tilespmem:s5+$0x0] =	vst v2  }
0x51: {  	v2 =	vld [tilespmem:s7+$0x10];
	_ =	sdelay $0x2  }
0x52: {  	v3 =	vmov s4  }
0x53: {  	v3 =	vshll.u32 v3, $0xE  }
0x54: {  	v3 =	vor.u32 v0, v3;
	v4 =	vshll.u32 v2, $0x3  }
.Ltmp0:
0x55: {  	v3 =	vand.u32 $0x7FFE0000, v3;
	v4 =	vand.u32 $0xFFFFFC00, v4;
	(pc) =	sbr.rel @p0 .LBB2_1-.Ltmp0, $4  }
0x56: {  	v2 =	vand.u32 $0x7F, v2;
	v3 =	vadd.s32 v3, v4  }
0x57: {  	v2 =	vor.u32 v2, v3  }
0x58: {  	v2 =	vor.u32 v1, v2  }
0x59: {  	s7 =	sadd.s32 $0x40, s7;
	[tilespmem:s5+$0x10] =	vst v2  }
0x5a: {  	s4 =	simm.s32 $0x80;
	s5 =	simm.s32 $0x200;
	s6 =	simm.s32 $0x400  }
0x5b: {  	[tilespmem:s6], [sflag:$0x1] =	stream.indirect.gather [hbm4b:s3+s4], $0x1, s5, s4, $0xb8;
	[tilespmem:$0x680] =	vst v63  }
0x5c: {  	s20 =	simm.s32 $0x280;
	s21 =	simm.s32 $0x480  }
0x5d: {  	[tilespmem:s21], [sflag:$0x1] =	stream.indirect.gather [hbm4b:s3+s4], $0x1, s20, s4, $0xb8;
	[tilespmem:$0x680] =	vst v63  }
0x5e: {  	s22 =	simm.s32 $0x300;
	s23 =	simm.s32 $0x500  }
0x5f: {  	[tilespmem:s23], [sflag:$0x1] =	stream.indirect.gather [hbm4b:s3+s4], $0x1, s22, s4, $0xb8;
	[tilespmem:$0x680] =	vst v63  }
0x60: {  	s24 =	simm.s32 $0x380;
	s25 =	simm.s32 $0x580;
	s26 =	simm.s32 $0x1  }
0x61: {  	[tilespmem:s25], [sflag:$0x1] =	stream.indirect.gather [hbm4b:s3+s4], $0x1, s24, s4, $0xb8;
	[tilespmem:$0x680] =	vst v63  }
0x62: {  	_ =	swait.ge [sflag:s26], $0x80  }
0x63: {  	[sflag:s26] =	ssyncset.done $0x0  }
0x64: {  	[sflag:s26] =	ssyncadd.s32 $0xFFFFFF80  }
0x65: {  	_ =	swait.ge [sflag:s26], $0x80  }
0x66: {  	[sflag:s26] =	ssyncset.done $0x0  }
0x67: {  	[sflag:s26] =	ssyncadd.s32 $0xFFFFFF80  }
0x68: {  	_ =	swait.ge [sflag:s26], $0x80  }
0x69: {  	[sflag:s26] =	ssyncset.done $0x0  }
0x6a: {  	[sflag:s26] =	ssyncadd.s32 $0xFFFFFF80  }
0x6b: {  	_ =	swait.ge [sflag:s26], $0x80  }
0x6c: {  	[sflag:s26] =	ssyncset.done $0x0  }
0x6d: {  	[sflag:s26] =	ssyncadd.s32 $0xFFFFFF80  }
0x6e: {  	v0 =	vld [tilespmem:$0x0]  }
0x6f: {  	v1 =	vld [tilespmem:$0x400]  }
0x70: {  	v2 =	vld [tilespmem:$0x10]  }
0x71: {  	v3 =	vld [tilespmem:$0x410]  }
0x72: {  	v4 =	vld [tilespmem:$0x20]  }
0x73: {  	v5 =	vld [tilespmem:$0x420]  }
0x74: {  	v6 =	vld [tilespmem:$0x30];
	v1 =	vsub.f32 $0.0e+00, v1  }
0x75: {  	v61 =	vld [tilespmem:$0x430];
	vm0 =	veq.s32 v0, $0x0;
	vm1 =	veq.s32 v2, $0x0  }
0x76: {  	v62 =	vld [tilespmem:$0x40];
	v2 =	vsel vm1, $0x0, v3;
	v1 =	vsel vm0, $0x0, v1  }
0x77: {  	v63 =	vld [tilespmem:$0x440];
	vm10 =	veq.s32 v4, $0x0;
	v1 =	vsub.f32 v1, v2  }
0x78: {  	v9 =	vld [tilespmem:$0x50];
	v4 =	vsel vm10, $0x0, v5  }
0x79: {  	v10 =	vld [tilespmem:$0x450];
	vm11 =	veq.s32 v6, $0x0;
	v1 =	vsub.f32 v1, v4  }
0x7a: {  	v11 =	vld [tilespmem:$0x60];
	v0 =	vsel vm11, $0x0, v61  }
0x7b: {  	v12 =	vld [tilespmem:$0x460];
	vm12 =	veq.s32 v62, $0x0;
	v0 =	vsub.f32 v1, v0  }
0x7c: {  	v13 =	vld [tilespmem:$0x70];
	v2 =	vsel vm12, $0x0, v63  }
0x7d: {  	v14 =	vld [tilespmem:$0x470];
	vm13 =	veq.s32 v9, $0x0;
	v0 =	vsub.f32 v0, v2  }
0x7e: {  	v15 =	vld [tilespmem:$0x80];
	v4 =	vsel vm13, $0x0, v10  }
0x7f: {  	v16 =	vld [tilespmem:$0x480];
	vm14 =	veq.s32 v11, $0x0;
	v0 =	vsub.f32 v0, v4  }
0x80: {  	v17 =	vld [tilespmem:$0x90];
	v1 =	vsel vm14, $0x0, v12  }
0x81: {  	v18 =	vld [tilespmem:$0x490];
	vm15 =	veq.s32 v13, $0x0;
	v0 =	vsub.f32 v0, v1  }
0x82: {  	v19 =	vld [tilespmem:$0xA0];
	v2 =	vsel vm15, $0x0, v14  }
0x83: {  	v20 =	vld [tilespmem:$0x4A0];
	vm4 =	veq.s32 v15, $0x0;
	v0 =	vsub.f32 v0, v2  }
0x84: {  	v21 =	vld [tilespmem:$0xB0];
	v4 =	vsel vm4, $0x0, v16  }
0x85: {  	v22 =	vld [tilespmem:$0x4B0];
	vm5 =	veq.s32 v17, $0x0;
	v0 =	vsub.f32 v0, v4  }
0x86: {  	v23 =	vld [tilespmem:$0xC0];
	v1 =	vsel vm5, $0x0, v18  }
0x87: {  	v24 =	vld [tilespmem:$0x4C0];
	vm6 =	veq.s32 v19, $0x0;
	v0 =	vsub.f32 v0, v1  }
0x88: {  	v25 =	vld [tilespmem:$0xD0];
	v2 =	vsel vm6, $0x0, v20  }
0x89: {  	v26 =	vld [tilespmem:$0x4D0];
	vm7 =	veq.s32 v21, $0x0;
	v0 =	vsub.f32 v0, v2  }
0x8a: {  	v27 =	vld [tilespmem:$0xE0];
	v4 =	vsel vm7, $0x0, v22  }
0x8b: {  	v28 =	vld [tilespmem:$0x4E0];
	vm8 =	veq.s32 v23, $0x0;
	v0 =	vsub.f32 v0, v4  }
0x8c: {  	v29 =	vld [tilespmem:$0xF0];
	v1 =	vsel vm8, $0x0, v24  }
0x8d: {  	v30 =	vld [tilespmem:$0x4F0];
	vm9 =	veq.s32 v25, $0x0;
	v0 =	vsub.f32 v0, v1  }
0x8e: {  	v31 =	vld [tilespmem:$0x100];
	v2 =	vsel vm9, $0x0, v26  }
0x8f: {  	v32 =	vld [tilespmem:$0x500];
	vm10 =	veq.s32 v27, $0x0;
	v0 =	vsub.f32 v0, v2  }
0x90: {  	v33 =	vld [tilespmem:$0x110];
	v4 =	vsel vm10, $0x0, v28  }
0x91: {  	v34 =	vld [tilespmem:$0x510];
	vm11 =	veq.s32 v29, $0x0;
	v0 =	vsub.f32 v0, v4  }
0x92: {  	v35 =	vld [tilespmem:$0x120];
	v1 =	vsel vm11, $0x0, v30  }
0x93: {  	v36 =	vld [tilespmem:$0x520];
	vm12 =	veq.s32 v31, $0x0;
	v0 =	vsub.f32 v0, v1  }
0x94: {  	v37 =	vld [tilespmem:$0x130];
	v2 =	vsel vm12, $0x0, v32  }
0x95: {  	v38 =	vld [tilespmem:$0x530];
	vm13 =	veq.s32 v33, $0x0;
	v0 =	vsub.f32 v0, v2  }
0x96: {  	v39 =	vld [tilespmem:$0x140];
	v4 =	vsel vm13, $0x0, v34  }
0x97: {  	v40 =	vld [tilespmem:$0x540];
	vm14 =	veq.s32 v35, $0x0;
	v0 =	vsub.f32 v0, v4  }
0x98: {  	v41 =	vld [tilespmem:$0x150];
	v1 =	vsel vm14, $0x0, v36  }
0x99: {  	v42 =	vld [tilespmem:$0x550];
	vm15 =	veq.s32 v37, $0x0;
	v0 =	vsub.f32 v0, v1  }
0x9a: {  	v43 =	vld [tilespmem:$0x160];
	v2 =	vsel vm15, $0x0, v38  }
0x9b: {  	v44 =	vld [tilespmem:$0x560];
	vm4 =	veq.s32 v39, $0x0;
	v0 =	vsub.f32 v0, v2  }
0x9c: {  	v45 =	vld [tilespmem:$0x170];
	v4 =	vsel vm4, $0x0, v40  }
0x9d: {  	v46 =	vld [tilespmem:$0x570];
	vm5 =	veq.s32 v41, $0x0;
	v0 =	vsub.f32 v0, v4  }
0x9e: {  	v47 =	vld [tilespmem:$0x180];
	v1 =	vsel vm5, $0x0, v42  }
0x9f: {  	v48 =	vld [tilespmem:$0x580];
	vm6 =	veq.s32 v43, $0x0;
	v0 =	vsub.f32 v0, v1  }
0xa0: {  	v49 =	vld [tilespmem:$0x190];
	v2 =	vsel vm6, $0x0, v44  }
0xa1: {  	v50 =	vld [tilespmem:$0x590];
	vm7 =	veq.s32 v45, $0x0;
	v0 =	vsub.f32 v0, v2  }
0xa2: {  	v51 =	vld [tilespmem:$0x1A0];
	v4 =	vsel vm7, $0x0, v46  }
0xa3: {  	v52 =	vld [tilespmem:$0x5A0];
	vm8 =	veq.s32 v47, $0x0;
	v0 =	vsub.f32 v0, v4  }
0xa4: {  	v53 =	vld [tilespmem:$0x1B0];
	v1 =	vsel vm8, $0x0, v48  }
0xa5: {  	v54 =	vld [tilespmem:$0x5B0];
	vm9 =	veq.s32 v49, $0x0;
	v0 =	vsub.f32 v0, v1  }
0xa6: {  	v55 =	vld [tilespmem:$0x1C0];
	v2 =	vsel vm9, $0x0, v50  }
0xa7: {  	v56 =	vld [tilespmem:$0x5C0];
	vm10 =	veq.s32 v51, $0x0;
	v0 =	vsub.f32 v0, v2  }
0xa8: {  	v57 =	vld [tilespmem:$0x1D0];
	v4 =	vsel vm10, $0x0, v52  }
0xa9: {  	v58 =	vld [tilespmem:$0x5D0];
	vm11 =	veq.s32 v53, $0x0;
	v0 =	vsub.f32 v0, v4  }
0xaa: {  	v59 =	vld [tilespmem:$0x1E0];
	v1 =	vsel vm11, $0x0, v54  }
0xab: {  	v60 =	vld [tilespmem:$0x5E0];
	vm12 =	veq.s32 v55, $0x0;
	v0 =	vsub.f32 v0, v1  }
0xac: {  	v61 =	vld [tilespmem:$0x1F0];
	v2 =	vsel vm12, $0x0, v56  }
0xad: {  	v62 =	vld [tilespmem:$0x5F0];
	vm13 =	veq.s32 v57, $0x0;
	v0 =	vsub.f32 v0, v2  }
0xae: {  	v4 =	vsel vm13, $0x0, v58  }
0xaf: {  	vm14 =	veq.s32 v59, $0x0;
	v0 =	vsub.f32 v0, v4  }
0xb0: {  	v1 =	vsel vm14, $0x0, v60  }
0xb1: {  	vm15 =	veq.s32 v61, $0x0;
	v0 =	vsub.f32 v0, v1  }
0xb2: {  	v63 =	vsel vm15, $0x0, v62  }
0xb3: {  	v0 =	vsub.f32 v0, v63  }
0xb4: {  	s28 =	sshll.u32 s1, $0x4;
	s29 =	simm.s32 $0x0  }
0xb5: {  	s30 =	simm.s32 $0x600;
	s31 =	simm.s32 $0x2;
	s2 =	sadd.s32 s2, s28;
	[tilespmem:$0x600] =	vst v0  }
0xb6: {  	[hbm4b:s2+s29] =	stream.linear.scatter [tilespmem:s30], [sflag:$0x2], $0x80, $0x38;
	[tilespmem:$0x680] =	vst v63  }
0xb7: {  	_ =	swait.ge [sflag:s31], $0x80  }
0xb8: {  	[sflag:s31] =	ssyncset.done $0x0  }
0xb9: {  	[sflag:s31] =	ssyncadd.s32 $0xFFFFFF80  }
0xba: {  	_ =	sfence.sel $0x180000  }
0xbb: {  	[bflag:$0x0] =	sbarrier.arrive $0xFFFF  }
0xbc: {  	p0 =	sne.s32 s1, $0x0;
	_ =	strace $0x90000047  }
0xbd: {  	s0 =	sadd.s32 @!p0 $0x100000, s0;
	[bflag:$0x2] =	sbarrier.arrive $0xFFFF  }
0xbe: {  	[sflag:s0] =	ssyncadd.tile.s32 @!p0 $0x1;
	_ =	shalt  }
.Lfunc_end2:
_tile_overlayer_lowered:
.L_overlay_start_2:
0xbf: {  	(tag) =	ssettag $0x2  }
0xc0: {  	s0 =	rddreg [dreg:$0x0];
	s2 =	stileid.u32  }
0xc1: {  	s1 =	rddreg [dreg:$0x1];
	p0 =	sne.s32 s2, $0x0  }
0xc2: {  	s3 =	rddreg [dreg:$0x2];
	[bflag:$0x3] =	sbarrier.arrive $0xFFFF;
	s2 =	simm.s32 @!p0 $0x1C02  }
0xc3: {  	[timem:s3], [sflag:s2] =	dma.local @!p0 [hbm:s0], s1  }
0xc4: {  	s0 =	simm.s32 @!p0 $0x2  }
0xc5: {  	_ =	swait.ge @!p0 [sflag:s0], s1  }
0xc6: {  	s1 =	ssub.s32 @!p0 $0x0, s1;
	[sflag:s0] =	ssyncset.done @!p0 $0x0  }
0xc7: {  	[sflag:s0] =	ssyncadd.s32 @!p0 s1  }
0xc8: {  	[bflag:$0x3] =	sbarrier.arrive $0xFFFF  }
0xc9: {  	_ =	shalt  }

</sc_bundles>
